<compile_context>
chip_gen: v7x
topology: tpu7x:2x2x1
jax: 0.10.2.dev20260603
libtpu: 0.0.44.dev20260713+nightly
codegen_flags: <defaults>
</compile_context>

<pallas_src>
import jax
import jax.numpy as jnp
from jax.experimental import pallas as pl

_GROUP_ORDER = 16
_FACTOR = 2
_SUB = _GROUP_ORDER // _FACTOR
_F = 96
_SPLIT = 2


def _copy_body(in_ref, out_ref):
    out_ref[...] = in_ref[...]


def kernel(x):
    B, C, H, W = x.shape
    bs = B // _SPLIT
    outs = []
    for p in range(_SPLIT):
        xv = x[p * bs:(p + 1) * bs].reshape(bs, _GROUP_ORDER, _F, H, W)
        o = pl.pallas_call(
            _copy_body,
            grid=(bs, _SUB),
            in_specs=[
                pl.BlockSpec((1, 1, _F, H, W),
                             lambda b, g: (b, _FACTOR * g, 0, 0, 0))
            ],
            out_specs=pl.BlockSpec((1, 1, _F, H, W),
                                   lambda b, g: (b, g, 0, 0, 0)),
            out_shape=jax.ShapeDtypeStruct((bs, _SUB, _F, H, W), jnp.float32),
        )(xv)
        outs.append(o)
    out = jnp.concatenate(outs, axis=0)
    return out.reshape(B, _SUB * _F, H, W)

# --- scband reference (transcript-rebuilt; emitter-appended) ---
"""Pipeline reference for scband-subgroup-downsample-27393301414147 (READ-ONLY COPY).

The authoritative reference and input builder live on the scoring server;
editing this copy changes nothing except your own understanding.
"""

import jax, jax.numpy as jnp
import numpy as np

# Module config (mirrors init_kwargs)
GROUP_ORDER = 16          # cyclic group C16: elements e, r, r^2, ..., r^15
SUBSAMPLING_FACTOR = 2
SUB_ORDER = GROUP_ORDER // SUBSAMPLING_FACTOR  # subgroup C8: e, r^2, r^4, ...
NUM_FEATURES = 96
# sample_type='sample': keep only group elements belonging to the subgroup
SUBSAMPLE_IDX = jnp.arange(0, GROUP_ORDER, SUBSAMPLING_FACTOR)  # [0,2,4,...,14]


def setup_inputs(seed: int = 0) -> dict:
    key = jax.random.key(seed)
    x = jax.random.normal(key, (8, GROUP_ORDER * NUM_FEATURES, 64, 64), dtype=jnp.float32)
    return {"x": x}


def reference(x):
    # Forward of SubgroupDownsample with cannonicalize=None, apply_antialiasing=False,
    # sample_type='sample'. Channels are laid out as group-element-major blocks:
    # [f1@g1, f2@g1, ..., fF@g1, f1@g2, ...]. The SamplingLayer keeps the channel
    # blocks whose group element lies in the subgroup (every 2nd rotation for C16->C8).
    B, C, H, W = x.shape
    xr = x.reshape(B, GROUP_ORDER, NUM_FEATURES, H, W)
    xs = jnp.take(xr, SUBSAMPLE_IDX, axis=1)  # gather subgroup elements
    out = xs.reshape(B, SUB_ORDER * NUM_FEATURES, H, W)
    # Original module returns (x, v) with v=[(-1,-1)] (no canonicalization info);
    # v is a constant Python list, so only the tensor output is returned here.
    return out

if __name__ == "__main__":
    import jax
    _d = setup_inputs()
    print(jax.jit(kernel)(*tuple(_d.values())))

</pallas_src>

<mosaic_0001>
module attributes {stable_mosaic.version = 14 : i64} {
  func.func @_copy_body(%arg0: i32, %arg1: i32, %arg2: memref<1x1x96x64x64xf32, #tpu.memory_space<vmem>>, %arg3: memref<1x1x96x64x64xf32, #tpu.memory_space<vmem>>) attributes {dimension_semantics = [#tpu.dimension_semantics<arbitrary>, #tpu.dimension_semantics<arbitrary>], iteration_bounds = array<i64: 4, 8>, scalar_prefetch = 0 : i64, scratch_operands = 0 : i64, tpu.core_type = #tpu.core_type<tc>, window_params = [{transform_indices = @transform_0, window_bounds = array<i64: 1, 1, 96, 64, 64>}, {transform_indices = @transform_1, window_bounds = array<i64: 1, 1, 96, 64, 64>}]} {
    %get3A = arith.constant 0 : index
    %get3A_0 = arith.constant 0 : index
    %get3A_1 = arith.constant 0 : index
    %get3A_2 = arith.constant 0 : index
    %get3A_3 = arith.constant 0 : index
    %get3A_4 = vector.load %arg2[%get3A, %get3A_0, %get3A_1, %get3A_2, %get3A_3] : memref<1x1x96x64x64xf32, #tpu.memory_space<vmem>>, vector<1x1x96x64x64xf32>
    %swap3A = arith.constant 0 : index
    %swap3A_5 = arith.constant 0 : index
    %swap3A_6 = arith.constant 0 : index
    %swap3A_7 = arith.constant 0 : index
    %swap3A_8 = arith.constant 0 : index
    %swap3A_9 = vector.load %arg3[%swap3A, %swap3A_5, %swap3A_6, %swap3A_7, %swap3A_8] : memref<1x1x96x64x64xf32, #tpu.memory_space<vmem>>, vector<1x1x96x64x64xf32>
    tpu.vector_store %arg3[%swap3A, %swap3A_5, %swap3A_6, %swap3A_7, %swap3A_8], %get3A_4 {strides = array<i32>} : memref<1x1x96x64x64xf32, #tpu.memory_space<vmem>>, vector<1x1x96x64x64xf32>,
    return
  }
  func.func @transform_0(%arg0: i32, %arg1: i32) -> (i32, i32, i32, i32, i32) {
    %mul3A = arith.constant 2 : i32
    %mul3A_0 = arith.muli %mul3A, %arg1 : i32
    %c0_i32 = arith.constant 0 : i32
    %c0_i32_1 = arith.constant 0 : i32
    %c0_i32_2 = arith.constant 0 : i32
    %c0_i32_3 = arith.constant 0 : i32
    return %arg0, %mul3A_0, %c0_i32, %c0_i32_1, %c0_i32_2 : i32, i32, i32, i32, i32
  }
  func.func @transform_1(%arg0: i32, %arg1: i32) -> (i32, i32, i32, i32, i32) {
    %c0_i32 = arith.constant 0 : i32
    %c0_i32_0 = arith.constant 0 : i32
    %c0_i32_1 = arith.constant 0 : i32
    %c0_i32_2 = arith.constant 0 : i32
    return %arg0, %arg1, %c0_i32, %c0_i32_0, %c0_i32_1 : i32, i32, i32, i32, i32
  }
}

</mosaic_0001>

<sc_bundles>
// kernel: sparse-core-data-format-call.cloned.1.call-start
scs
called_computation_lowered:
.L_overlay_start_0:
0x0: {  	s2 =	sld [smem:$0x3FD9]  }
0x1: {  	s3 =	sld [smem:$0x3FFE];
	_ =	sdelay $0x1  }
0x2: {  	s1 =	srdreg.scid  }
0x3: {  	s0 =	sand.u32 $0x1, s1  }
0x4: {  	s18 =	sshll.u32 s0, $0xA;
	s2 =	sadd.s32 s3, s2  }
0x5: {  	s2 =	sadd.s32 s2, s18  }
0x6: {  	[smem:$0x3FC7] =	sst s2  }
0x7: {  	_ = 	snop  }
0x8: {  	s2 =	sld [smem:$0x3FD0];
	(tm) =	ssettm $0x1  }
0x9: {  	s19 =	sld [smem:$0x3FFB];
	_ =	sdelay $0x3  }
0xa: {  	_ =	strace s19  }
0xb: {  	s3 =	sld [smem:$0x3FFC];
	_ =	sdelay $0x3  }
0xc: {  	_ =	strace s3  }
0xd: {  	s3 =	sld [smem:$0x3FFD];
	_ =	sdelay $0x3  }
0xe: {  	_ =	strace s3  }
0xf: {  	_ =	strace $0x8FFFFFFF  }
0x10: {  	s20 =	sld [smem:$0x3FDB];
	_ =	sdelay $0x1  }
0x11: {  	s4 =	simm.s32 $_scs_section_size  }
0x12: {  	s5 =	simm.s32 $_size__tile_overlayer_lowered;
	s6 =	simm.s32 $_tile_overlayer_lowered  }
0x13: {  	s23 =	simm.s32 $0x1BFF;
	s22 =	sshll.u32 s6, $0x1;
	s3 =	sadd.s32 s4, s20  }
0x14: {  	s7 =	simm.s32 $0x0;
	s21 =	sshll.u32 s5, $0x1;
	s5 =	sadd.s32 s22, s3  }
0x15: {  	[timem:s7], [sflag:s23] =	dma.local [hbm:s5], s21  }
0x16: {  	_ =	swait.ge [sflag:s23], s21  }
0x17: {  	s4 =	ssub.s32 $0x0, s21;
	[sflag:s23] =	ssyncset.done $0x0  }
0x18: {  	[sflag:s23] =	ssyncadd.s32 s4;
	_ =	sdelay $0x1  }
0x19: {  	s24 =	simm.s32 $0x1B8B  }
0x1a: {  	_ =	swait.ge [sflag:s24], $0x1  }
0x1b: {  	[sflag:s24] =	ssyncset.done $0x0  }
0x1c: {  	s26 =	simm.s32 $0x1B8E;
	s25 =	sld [smem:$0x3FFE];
	[sflag:s24] =	ssyncadd.s32 $0xFFFFFFFF  }
0x1d: {  	s27 =	simm.s32 $execute0_lowered;
	[smem:$0x3FD2] =	sst s26  }
0x1e: {  	s5 =	sshll.u32 s27, $0x1;
	_ =	strace $0x80000046;
	[dreg:$0x1] =	wrdreg $0xFFFFFFFF  }
0x1f: {  	s28 =	simm.s32 $_size_execute0_lowered;
	s3 =	sadd.s32 s3, s5;
	[dreg:$0x0] =	wrdreg $0x0  }
0x20: {  	s5 =	sshll.u32 s28, $0x1;
	[dreg:$0x2] =	wrdreg s3  }
0x21: {  	[dreg:$0x3] =	wrdreg s5  }
0x22: {  	[dreg:$0x4] =	wrdreg $0xC0  }
0x23: {  	_ =	task [dreg:s7], $0x5FFFF  }
0x24: {  	[dreg:$0x1] =	wrdreg $0xFFFFFFFF  }
0x25: {  	[dreg:$0x0] =	wrdreg $0x60  }
0x26: {  	[dreg:$0x2] =	wrdreg s25  }
0x27: {  	[dreg:$0x3] =	wrdreg s2  }
0x28: {  	[dreg:$0x4] =	wrdreg $0x9  }
0x29: {  	_ =	task.clear_ibuf [dreg:s7], $0x5FFFF;
	_ =	strace $0x90000046  }
0x2a: {  	s29 =	simm.s32 $0x9;
	_ =	strace $0x80000048  }
0x2b: {  	_ =	swait.ge [sflag:s29], $0x1  }
0x2c: {  	[sflag:s29] =	ssyncadd.s32 $0xFFFFFFFF  }
0x2d: {  	_ =	strace $0x90000048  }
0x2e: {  	_ =	sfence  }
0x2f: {  	s30 =	sld [smem:$0x0];
	_ =	sdelay $0x2  }
0x30: {  	s31 =	sshll.u32 s1, $0xD;
	s1 =	sshrl.u32 s1, $0x2  }
0x31: {  	s3 =	sand.u32 $0x4000, s31;
	s1 =	sadd.s32 s1, s30  }
0x32: {  	s0 =	sor.u32 s3, s0;
	s1 =	sshll.u32 s1, $0x11  }
0x33: {  	s0 =	sor.u32 s1, s0  }
0x34: {  	s0 =	sadd.s32 $0x8F2B, s0  }
0x35: {  	[sflag:s0] =	ssyncadd.remote.s32 $0x1  }
0x36: {  	_ =	sfence.sel $0xFFFF  }
0x37: {  	[dreg:$0x0] =	wrdreg $0xFFFFFFFF;
	(pc) =	sbr.abs _section_cstart, $3  }
0x38: {  	[dreg:$0x1] =	wrdreg $0xFFFFFFFF  }
0x39: {  	_ =	task.clear_ibuf [dreg:s7], $0x2FFFF;
	_ =	strace $0x9FFFFFFF  }
0x3a: {  	(tm) =	ssettm $0x7FFFFFFF  }
0x3b: {  	_ =	shalt  }
tec
execute0_lowered:
.L_overlay_start_1:
0x0: {  	(tag) =	ssettag $0x1  }
0x1: {  	s3 =	rddreg [dreg:$0x0]  }
0x2: {  	s2 =	rddreg [dreg:$0x1]  }
0x3: {  	s1 =	srdreg.scid;
	s0 =	rddreg [dreg:$0x2];
	_ =	strace $0x80000047  }
0x4: {  	s7 =	simm.s32 $0x2;
	s12 =	simm.s32 $0x0;
	p0 =	por $0x0, $0x0  }
0x5: {  	s14 =	simm.s32 $0x0;
	s13 =	simm.s32 $0x0;
	s10 =	simm.s32 $0x0  }
.Ltmp0:
0x6: {  	s8 =	simm.s32 $0x0;
	s4 =	sshll.u32 s1, $0x4;
	(pc) =	sbr.rel .LBB1_1-.Ltmp0, $4  }
0x7: {  	s1 =	stileid.u32;
	s3 =	sadd.s32 $0x600, s3;
	s4 =	sand.u32 $0x10, s4  }
0x8: {  	s5 =	sand.u32 $0x7, s1;
	s6 =	sor.u32 s1, s4;
	s4 =	simm.s32 $0x1  }
0x9: {  	s11 =	smov.u32 s5;
	[sflag:s4] =	ssyncpa.u1 $0x0;
	s6 =	sshrl.u32 s6, $0x3  }
0xa: {  	[sflag:s7] =	ssyncpa.u1 $0x0;
	s7 =	simm.s32 $0x1800;
	s9 =	smov.u32 s6  }
.LBB1_5:
0xb: {  	s15 =	sadd.s32 $0x4, s9  }
0xc: {  	s12 =	sadd.s32 $0x80, s10;
	s16 =	smov.u32 s10;
	p2 =	sgt.s32 s15, $0x3F  }
0xd: {  	s16 =	smov.u32 @p2 s12  }
0xe: {  	s18 =	smov.u32 s11;
	s12 =	sadd.s32 $0x8, s11;
	p3 =	sgt.s32 s16, $0x2FF  }
0xf: {  	p1 =	slt.u32 s8, $0x2;
	s18 =	smov.u32 @p3 s12  }
0x10: {  	s8 =	sadd.s32 $0x1, s8;
	s15 =	smov.u32 @p2 s6;
	p2 =	sgt.s32 s18, $0x7  }
0x11: {  	s18 =	smov.u32 @p2 s5;
	p2 =	sne.s32 s8, $0x62  }
.Ltmp1:
0x12: {  	s17 =	simm.s32 @!p1 $0x2;
	(pc) =	sbr.rel @!p2 .LBB1_6-.Ltmp1, $4  }
0x13: {  	s14 =	smov.u32 s10;
	_ =	swait.ge @!p1 [sflag:s17], $0x2000  }
0x14: {  	s13 =	smov.u32 s11;
	p0 =	por !p0, !p0;
	[sflag:s17] =	ssyncset.done @!p1 $0x0  }
0x15: {  	s16 =	simm.s32 @p3 $0x0;
	s12 =	smov.u32 s9;
	[sflag:s17] =	ssyncadd.s32 @!p1 $0xFFFFE000  }
0x16: {  	s9 =	smov.u32 s15;
	s10 =	smov.u32 s16;
	s11 =	smov.u32 s18  }
.LBB1_1:
0x17: {  	p1 =	sgt.u32 s8, $0x5F  }
0x18: {  	s16 =	smul.u32 @!p1 $0xC0000, s11  }
0x19: {  	s15 =	sxor.u32 @!p1 $0xFFFFFFFF, s8;
	s17 =	sshll.u32 @!p1 s10, $0xA  }
0x1a: {  	s18 =	sshll.u32 @!p1 s9, $0x4;
	s15 =	sshll.u32 @!p1 s15, $0xD;
	s16 =	sadd.s32 @!p1 s3, s16  }
0x1b: {  	s18 =	sand.u32 @!p1 $0x3F0, s18;
	s15 =	sand.u32 @!p1 $0x2000, s15;
	s16 =	sadd.s32 @!p1 s17, s16  }
0x1c: {  	s17 =	simm.s32 @!p1 $0x40;
	s16 =	sadd.s32 @!p1 s18, s16;
	s18 =	simm.s32 @!p1 $0x2000  }
0x1d: {  	[tilespmem:s15], [sflag:$0x1] =	stream.strided.gather @!p1 [hbm4b:s16+s17], $0x2000, s18, s17, $0x38;
	[tilespmem:$0x8080] =	vst v63  }
0x1e: {  	p1 =	seq.s32 s8, $0x0  }
0x1f: {  	p2 =	seq.s32 @!p1 s8, $0x61  }
0x20: {  	p1 =	por p1, p2  }
.Ltmp2:
0x21: {  	_ = 	snop;
	(pc) =	sbr.rel @p1 .LBB1_5-.Ltmp2, $1  }
0x22: {  	_ =	sdelay $0x3  }
0x23: {  	s15 =	simm.s32 $0x1  }
0x24: {  	_ =	swait.ge [sflag:s4], $0x2000;
	s15 =	simm.s32 @!p0 $0x0  }
0x25: {  	[sflag:s4] =	ssyncset.done $0x0;
	s16 =	sshll.u32 s15, $0xD  }
0x26: {  	[sflag:s4] =	ssyncadd.s32 $0xFFFFE000;
	s19 =	sor.u32 $0x20, s16  }
0x27: {  	s15 =	smul.u32 $0x8100, s15;
	v3 =	vld [tilespmem:s19+$0x10]  }
0x28: {  	s30 =	sand.u32 $0x1, s8;
	v2 =	vld [tilespmem:s19+$0xFFFFFFF0]  }
0x29: {  	s16 =	smul.u32 $0x8100, s30;
	s15 =	sshrl.u32 s15, $0x2;
	v0 =	vld [tilespmem:s19+$0x0]  }
0x2a: {  	v1 =	vld [tilespmem:s19+$0xFFFFFFE0];
	s17 =	sor.u32 $0x4000, s15  }
0x2b: {  	s31 =	sshrl.u32 s16, $0x2;
	s16 =	sadd.s32 $0x0, s17  }
0x2c: {  	s18 =	simm.s32 $0x4;
	s19 =	sadd.s32 $0x40, s19;
	s15 =	sor.u32 $0x4000, s31;
	[tilespmem:s16+$0x1830 ss:$0x81] =	vst.msk $0xffff, v3  }
.LBB1_3:
0x2d: {  	v3 =	vld [tilespmem:s19+$0x10];
	p1 =	sne.s32 s18, $0x1FC;
	[tilespmem:s16+$0x810 ss:$0x81] =	vst.msk $0xffff, v2;
	s20 =	smov.u32 s18;
	s18 =	sadd.s32 $0x4, s18  }
.Ltmp3:
0x2e: {  	v2 =	vld [tilespmem:s19+$0xFFFFFFF0];
	[tilespmem:s16+$0x1020 ss:$0x81] =	vst.msk $0xffff, v0;
	(pc) =	sbr.rel @p1 .LBB1_3-.Ltmp3, $4  }
0x2f: {  	v0 =	vld [tilespmem:s19+$0x0];
	[tilespmem:s16+$0x0 ss:$0x81] =	vst.msk $0xffff, v1  }
0x30: {  	s16 =	sshra.s32 s20, $0x2;
	v1 =	vld [tilespmem:s19+$0xFFFFFFE0]  }
0x31: {  	s16 =	sadd.s32 s16, s17  }
0x32: {  	s19 =	sadd.s32 $0x40, s19;
	[tilespmem:s16+$0x1830 ss:$0x81] =	vst.msk $0xffff, v3  }
0x33: {  	s17 =	sshll.u32 s14, $0x3  }
0x34: {  	s30 =	sand.u32 $0x7F, s14;
	s17 =	sand.u32 $0xFFFFFC00, s17  }
0x35: {  	s14 =	sor.u32 s30, s17;
	s17 =	smulhi.u32 $0xAAAAAAAB, s17  }
0x36: {  	s18 =	smulhi.u32 $0xAAAAAAAB, s14  }
0x37: {  	s13 =	smul.u32 $0x60000, s13  }
0x38: {  	s12 =	smul.u32 $0x1800, s12;
	s17 =	sshrl.u32 s17, $0x9;
	s18 =	sshrl.u32 s18, $0x9  }
0x39: {  	s17 =	sand.u32 $0x3F, s17;
	s18 =	smul.u32 $0x300, s18  }
0x3a: {  	s17 =	smul.u32 $0x60, s17  }
.Ltmp4:
0x3b: {  	s13 =	sadd.s32 s2, s13;
	s14 =	ssub.s32 s14, s18;
	(pc) =	sbr.rel .LBB1_5-.Ltmp4, $4  }
0x3c: {  	[tilespmem:s16+$0x810 ss:$0x81] =	vst.msk $0xffff, v2;
	s12 =	sadd.s32 s12, s13;
	s31 =	sand.u32 $0x7, s14  }
0x3d: {  	[tilespmem:s16+$0x1020 ss:$0x81] =	vst.msk $0xffff, v0;
	s12 =	sadd.s32 s17, s12;
	s14 =	sshrl.u32 s14, $0x3;
	s13 =	sshll.u32 s31, $0x12  }
0x3e: {  	[tilespmem:s16+$0x0 ss:$0x81] =	vst.msk $0xffff, v1;
	s12 =	sadd.s32 s14, s12;
	s13 =	sor.u32 $0x400, s13  }
0x3f: {  	[hbm4b:s12+s13] =	stream.strided.scatter [tilespmem:s15], [sflag:$0x2], $0x2000, s7, s13, $0x20;
	[tilespmem:$0x8080] =	vst v63  }
.LBB1_6:
0x40: {  	_ =	sfence.sel $0x180000  }
0x41: {  	s2 =	simm.s32 $0x1;
	[bflag:$0x0] =	sbarrier.arrive $0xFFFF  }
0x42: {  	s31 =	simm.s32 $0x2;
	[sflag:s2] =	ssyncpa.u1 $0x1  }
0x43: {  	[sflag:s31] =	ssyncpa.u1 $0x1  }
0x44: {  	p0 =	sne.s32 s1, $0x0;
	_ =	strace $0x90000047  }
0x45: {  	s0 =	sadd.s32 @!p0 $0x100000, s0;
	[bflag:$0x2] =	sbarrier.arrive $0xFFFF  }
0x46: {  	[sflag:s0] =	ssyncadd.tile.s32 @!p0 $0x1;
	_ =	shalt  }
.Lfunc_end1:
_tile_overlayer_lowered:
.L_overlay_start_2:
0x47: {  	(tag) =	ssettag $0x2  }
0x48: {  	s0 =	rddreg [dreg:$0x0];
	s2 =	stileid.u32  }
0x49: {  	s1 =	rddreg [dreg:$0x1];
	p0 =	sne.s32 s2, $0x0  }
0x4a: {  	s3 =	rddreg [dreg:$0x2];
	[bflag:$0x3] =	sbarrier.arrive $0xFFFF;
	s2 =	simm.s32 @!p0 $0x1C01  }
0x4b: {  	[timem:s3], [sflag:s2] =	dma.local @!p0 [hbm:s0], s1  }
0x4c: {  	s0 =	simm.s32 @!p0 $0x1  }
0x4d: {  	_ =	swait.ge @!p0 [sflag:s0], s1  }
0x4e: {  	s1 =	ssub.s32 @!p0 $0x0, s1;
	[sflag:s0] =	ssyncset.done @!p0 $0x0  }
0x4f: {  	[sflag:s0] =	ssyncadd.s32 @!p0 s1  }
0x50: {  	[bflag:$0x3] =	sbarrier.arrive $0xFFFF  }
0x51: {  	_ =	shalt  }

</sc_bundles>
